<compile_context>
chip_gen: v7x
topology: tpu7x:2x2x1
jax: 0.10.2.dev20260603
libtpu: 0.0.44.dev20260713+nightly
codegen_flags: <defaults>
</compile_context>

<pallas_src>
import functools

import jax
import jax.numpy as jnp
from jax import lax
from jax.experimental import pallas as pl
from jax.experimental.pallas import tpu as pltpu
from jax.experimental.pallas import tpu_sc as plsc

_BATCH_BLOCK = 32
_TC_ROWS = 672


def _broadcast_body(pos_emb_ref, out_ref):
    out_ref[...] = jnp.broadcast_to(pos_emb_ref[...][None], out_ref.shape)


def _tc_part(pos_emb, rows):
    seq, dim = pos_emb.shape
    return pl.pallas_call(
        _broadcast_body,
        grid=(rows // _BATCH_BLOCK,),
        in_specs=[pl.BlockSpec((seq, dim), lambda i: (0, 0))],
        out_specs=pl.BlockSpec((_BATCH_BLOCK, seq, dim), lambda i: (i, 0, 0)),
        out_shape=jax.ShapeDtypeStruct((rows, seq, dim), jnp.float32),
    )(pos_emb)


def _sc_part(pos_emb, rows):
    seq, dim = pos_emb.shape
    info = plsc.get_sparse_core_info()
    nworkers = info.num_cores * info.num_subcores
    b_per_w = rows // nworkers
    mesh = plsc.VectorSubcoreMesh(core_axis_name="c", subcore_axis_name="s")

    @functools.partial(
        pl.kernel,
        mesh=mesh,
        out_type=jax.ShapeDtypeStruct((rows, seq, dim), jnp.float32),
        scratch_types=[
            pltpu.VMEM((seq, dim), jnp.float32),
            pltpu.SemaphoreType.DMA,
        ],
    )
    def k(pos_hbm, out_hbm, tab_v, sem):
        wid = lax.axis_index("s") * info.num_cores + lax.axis_index("c")
        base = wid * b_per_w
        pltpu.sync_copy(pos_hbm, tab_v)
        for b in range(b_per_w):
            pltpu.make_async_copy(tab_v, out_hbm.at[base + b], sem).start()
        for b in range(b_per_w):
            pltpu.make_async_copy(tab_v, out_hbm.at[base + b], sem).wait()

    return k(pos_emb)


def kernel(x, pos_emb):
    batch = x.shape[0]
    tc = _tc_part(pos_emb, _TC_ROWS)
    sc = _sc_part(pos_emb, batch - _TC_ROWS)
    return jnp.concatenate([tc, sc], axis=0)

# --- scband reference (transcript-rebuilt; emitter-appended) ---
"""Pipeline reference for scband-position-encoder-3685081940494 (READ-ONLY COPY).

The authoritative reference and input builder live on the scoring server;
editing this copy changes nothing except your own understanding.
"""

import jax, jax.numpy as jnp
import numpy as np

MAX_SEQ_LEN = 200
POS_EMB_SIZE = 128
BATCH = 1024

def _xavier_uniform(key, shape):
    fan_in, fan_out = shape[1], shape[0]
    # torch xavier_uniform on Embedding weight [num_embeddings, dim]: fan_in=dim, fan_out=num_embeddings per torch convention for 2D
    a = float(np.sqrt(6.0 / (shape[0] + shape[1])))
    return jax.random.uniform(key, shape, minval=-a, maxval=a, dtype=jnp.float32)

def setup_inputs(seed: int = 0) -> dict:
    key = jax.random.key(seed)
    kx, kw = jax.random.split(key)
    x = jax.random.normal(kx, (BATCH, POS_EMB_SIZE), dtype=jnp.float32)
    pos_emb = _xavier_uniform(kw, (MAX_SEQ_LEN, POS_EMB_SIZE))
    return {"x": x, "pos_emb": pos_emb}

def reference(x, pos_emb):
    # pos = arange(max_seq_len).unsqueeze(0).expand(B, -1)
    pos = jnp.broadcast_to(jnp.arange(MAX_SEQ_LEN, dtype=jnp.int32)[None, :], (x.shape[0], MAX_SEQ_LEN))
    # embedding lookup: gather rows of pos_emb
    return jnp.take(pos_emb, pos, axis=0)

if __name__ == "__main__":
    import jax
    _d = setup_inputs()
    print(jax.jit(kernel)(*tuple(_d.values())))

</pallas_src>

<mosaic_0001>
#map = affine_map<(d0, d1) -> (0, 0)>
#map1 = affine_map<(d0, d1) -> (0, 0, 0)>
module attributes {stable_mosaic.version = 14 : i64} {
  func.func @k(%arg0: i32, %arg1: i32, %arg2: memref<200x128xf32, #tpu.memory_space<hbm>>, %arg3: memref<352x200x128xf32, #tpu.memory_space<hbm>>, %arg4: memref<200x128xf32, #tpu.memory_space<vmem>>, %arg5: memref<!tpu.dma_semaphore, #tpu.memory_space<semaphore_mem>>) attributes {dimension_semantics = [#tpu.dimension_semantics<core_parallel>, #tpu.dimension_semantics<subcore_parallel>], iteration_bounds = array<i64: 2, 16>, scalar_prefetch = 0 : i64, scratch_operands = 2 : i64, tpu.core_type = #tpu.core_type<sc_vector_subcore>, window_params = [{transform_indices = #map}, {transform_indices = #map1}]} {
    %mul3A = arith.constant 2 : i32
    %mul3A_0 = arith.muli %arg1, %mul3A : i32
    %add3A = arith.addi %mul3A_0, %arg0 : i32
    %mul3A_1 = arith.constant 11 : i32
    %mul3A_2 = arith.muli %add3A, %mul3A_1 : i32
    "tpu.region"() ({
      %run_scoped3A = tpu.sem_alloc : memref<!tpu.dma_semaphore, #tpu.memory_space<semaphore_mem>>
      tpu.enqueue_dma source(%arg2 : memref<200x128xf32, #tpu.memory_space<hbm>>) target(%arg4 : memref<200x128xf32, #tpu.memory_space<vmem>>) target_semaphore(%run_scoped3A : memref<!tpu.dma_semaphore, #tpu.memory_space<semaphore_mem>>)
      tpu.wait_dma2 semaphore(%run_scoped3A : memref<!tpu.dma_semaphore, #tpu.memory_space<semaphore_mem>>) src(%arg2 : memref<200x128xf32, #tpu.memory_space<hbm>>) dst(%arg4 : memref<200x128xf32, #tpu.memory_space<vmem>>)
      tpu.yield
    }) : () -> ()
    %add3A_3 = arith.constant 0 : i32
    %add3A_4 = arith.addi %mul3A_2, %add3A_3 : i32
    %dma_start3A = arith.constant 0 : i32
    %dma_start3A_5 = arith.constant 0 : i32
    %dma_start3A_6 = tpu.memref_slice %arg3[%add3A_4, %dma_start3A, %dma_start3A_5] : memref<352x200x128xf32, #tpu.memory_space<hbm>> -> memref<1x200x128xf32, #tpu.memory_space<hbm>>
    %dma_start3A_7 = tpu.memref_squeeze %dma_start3A_6 : memref<1x200x128xf32, #tpu.memory_space<hbm>> -> memref<200x128xf32, #tpu.memory_space<hbm>>
    %dma_start3A_8 = arith.constant 0 : i32
    %dma_start3A_9 = arith.constant 0 : i32
    %dma_start3A_10 = tpu.memref_slice %arg3[%add3A_4, %dma_start3A_8, %dma_start3A_9] : memref<352x200x128xf32, #tpu.memory_space<hbm>> -> memref<1x200x128xf32, #tpu.memory_space<hbm>>
    %dma_start3A_11 = tpu.memref_squeeze %dma_start3A_10 : memref<1x200x128xf32, #tpu.memory_space<hbm>> -> memref<200x128xf32, #tpu.memory_space<hbm>>
    tpu.enqueue_dma source(%arg4 : memref<200x128xf32, #tpu.memory_space<vmem>>) target(%dma_start3A_11 : memref<200x128xf32, #tpu.memory_space<hbm>>) target_semaphore(%arg5 : memref<!tpu.dma_semaphore, #tpu.memory_space<semaphore_mem>>)
    %add3A_12 = arith.constant 1 : i32
    %add3A_13 = arith.addi %mul3A_2, %add3A_12 : i32
    %dma_start3A_14 = arith.constant 0 : i32
    %dma_start3A_15 = arith.constant 0 : i32
    %dma_start3A_16 = tpu.memref_slice %arg3[%add3A_13, %dma_start3A_14, %dma_start3A_15] : memref<352x200x128xf32, #tpu.memory_space<hbm>> -> memref<1x200x128xf32, #tpu.memory_space<hbm>>
    %dma_start3A_17 = tpu.memref_squeeze %dma_start3A_16 : memref<1x200x128xf32, #tpu.memory_space<hbm>> -> memref<200x128xf32, #tpu.memory_space<hbm>>
    %dma_start3A_18 = arith.constant 0 : i32
    %dma_start3A_19 = arith.constant 0 : i32
    %dma_start3A_20 = tpu.memref_slice %arg3[%add3A_13, %dma_start3A_18, %dma_start3A_19] : memref<352x200x128xf32, #tpu.memory_space<hbm>> -> memref<1x200x128xf32, #tpu.memory_space<hbm>>
    %dma_start3A_21 = tpu.memref_squeeze %dma_start3A_20 : memref<1x200x128xf32, #tpu.memory_space<hbm>> -> memref<200x128xf32, #tpu.memory_space<hbm>>
    tpu.enqueue_dma source(%arg4 : memref<200x128xf32, #tpu.memory_space<vmem>>) target(%dma_start3A_21 : memref<200x128xf32, #tpu.memory_space<hbm>>) target_semaphore(%arg5 : memref<!tpu.dma_semaphore, #tpu.memory_space<semaphore_mem>>)
    %add3A_22 = arith.constant 2 : i32
    %add3A_23 = arith.addi %mul3A_2, %add3A_22 : i32
    %dma_start3A_24 = arith.constant 0 : i32
    %dma_start3A_25 = arith.constant 0 : i32
    %dma_start3A_26 = tpu.memref_slice %arg3[%add3A_23, %dma_start3A_24, %dma_start3A_25] : memref<352x200x128xf32, #tpu.memory_space<hbm>> -> memref<1x200x128xf32, #tpu.memory_space<hbm>>
    %dma_start3A_27 = tpu.memref_squeeze %dma_start3A_26 : memref<1x200x128xf32, #tpu.memory_space<hbm>> -> memref<200x128xf32, #tpu.memory_space<hbm>>
    %dma_start3A_28 = arith.constant 0 : i32
    %dma_start3A_29 = arith.constant 0 : i32
    %dma_start3A_30 = tpu.memref_slice %arg3[%add3A_23, %dma_start3A_28, %dma_start3A_29] : memref<352x200x128xf32, #tpu.memory_space<hbm>> -> memref<1x200x128xf32, #tpu.memory_space<hbm>>
    %dma_start3A_31 = tpu.memref_squeeze %dma_start3A_30 : memref<1x200x128xf32, #tpu.memory_space<hbm>> -> memref<200x128xf32, #tpu.memory_space<hbm>>
    tpu.enqueue_dma source(%arg4 : memref<200x128xf32, #tpu.memory_space<vmem>>) target(%dma_start3A_31 : memref<200x128xf32, #tpu.memory_space<hbm>>) target_semaphore(%arg5 : memref<!tpu.dma_semaphore, #tpu.memory_space<semaphore_mem>>)
    %add3A_32 = arith.constant 3 : i32
    %add3A_33 = arith.addi %mul3A_2, %add3A_32 : i32
    %dma_start3A_34 = arith.constant 0 : i32
    %dma_start3A_35 = arith.constant 0 : i32
    %dma_start3A_36 = tpu.memref_slice %arg3[%add3A_33, %dma_start3A_34, %dma_start3A_35] : memref<352x200x128xf32, #tpu.memory_space<hbm>> -> memref<1x200x128xf32, #tpu.memory_space<hbm>>
    %dma_start3A_37 = tpu.memref_squeeze %dma_start3A_36 : memref<1x200x128xf32, #tpu.memory_space<hbm>> -> memref<200x128xf32, #tpu.memory_space<hbm>>
    %dma_start3A_38 = arith.constant 0 : i32
    %dma_start3A_39 = arith.constant 0 : i32
    %dma_start3A_40 = tpu.memref_slice %arg3[%add3A_33, %dma_start3A_38, %dma_start3A_39] : memref<352x200x128xf32, #tpu.memory_space<hbm>> -> memref<1x200x128xf32, #tpu.memory_space<hbm>>
    %dma_start3A_41 = tpu.memref_squeeze %dma_start3A_40 : memref<1x200x128xf32, #tpu.memory_space<hbm>> -> memref<200x128xf32, #tpu.memory_space<hbm>>
    tpu.enqueue_dma source(%arg4 : memref<200x128xf32, #tpu.memory_space<vmem>>) target(%dma_start3A_41 : memref<200x128xf32, #tpu.memory_space<hbm>>) target_semaphore(%arg5 : memref<!tpu.dma_semaphore, #tpu.memory_space<semaphore_mem>>)
    %add3A_42 = arith.constant 4 : i32
    %add3A_43 = arith.addi %mul3A_2, %add3A_42 : i32
    %dma_start3A_44 = arith.constant 0 : i32
    %dma_start3A_45 = arith.constant 0 : i32
    %dma_start3A_46 = tpu.memref_slice %arg3[%add3A_43, %dma_start3A_44, %dma_start3A_45] : memref<352x200x128xf32, #tpu.memory_space<hbm>> -> memref<1x200x128xf32, #tpu.memory_space<hbm>>
    %dma_start3A_47 = tpu.memref_squeeze %dma_start3A_46 : memref<1x200x128xf32, #tpu.memory_space<hbm>> -> memref<200x128xf32, #tpu.memory_space<hbm>>
    %dma_start3A_48 = arith.constant 0 : i32
    %dma_start3A_49 = arith.constant 0 : i32
    %dma_start3A_50 = tpu.memref_slice %arg3[%add3A_43, %dma_start3A_48, %dma_start3A_49] : memref<352x200x128xf32, #tpu.memory_space<hbm>> -> memref<1x200x128xf32, #tpu.memory_space<hbm>>
    %dma_start3A_51 = tpu.memref_squeeze %dma_start3A_50 : memref<1x200x128xf32, #tpu.memory_space<hbm>> -> memref<200x128xf32, #tpu.memory_space<hbm>>
    tpu.enqueue_dma source(%arg4 : memref<200x128xf32, #tpu.memory_space<vmem>>) target(%dma_start3A_51 : memref<200x128xf32, #tpu.memory_space<hbm>>) target_semaphore(%arg5 : memref<!tpu.dma_semaphore, #tpu.memory_space<semaphore_mem>>)
    %add3A_52 = arith.constant 5 : i32
    %add3A_53 = arith.addi %mul3A_2, %add3A_52 : i32
    %dma_start3A_54 = arith.constant 0 : i32
    %dma_start3A_55 = arith.constant 0 : i32
    %dma_start3A_56 = tpu.memref_slice %arg3[%add3A_53, %dma_start3A_54, %dma_start3A_55] : memref<352x200x128xf32, #tpu.memory_space<hbm>> -> memref<1x200x128xf32, #tpu.memory_space<hbm>>
    %dma_start3A_57 = tpu.memref_squeeze %dma_start3A_56 : memref<1x200x128xf32, #tpu.memory_space<hbm>> -> memref<200x128xf32, #tpu.memory_space<hbm>>
    %dma_start3A_58 = arith.constant 0 : i32
    %dma_start3A_59 = arith.constant 0 : i32
    %dma_start3A_60 = tpu.memref_slice %arg3[%add3A_53, %dma_start3A_58, %dma_start3A_59] : memref<352x200x128xf32, #tpu.memory_space<hbm>> -> memref<1x200x128xf32, #tpu.memory_space<hbm>>
    %dma_start3A_61 = tpu.memref_squeeze %dma_start3A_60 : memref<1x200x128xf32, #tpu.memory_space<hbm>> -> memref<200x128xf32, #tpu.memory_space<hbm>>
    tpu.enqueue_dma source(%arg4 : memref<200x128xf32, #tpu.memory_space<vmem>>) target(%dma_start3A_61 : memref<200x128xf32, #tpu.memory_space<hbm>>) target_semaphore(%arg5 : memref<!tpu.dma_semaphore, #tpu.memory_space<semaphore_mem>>)
    %add3A_62 = arith.constant 6 : i32
    %add3A_63 = arith.addi %mul3A_2, %add3A_62 : i32
    %dma_start3A_64 = arith.constant 0 : i32
    %dma_start3A_65 = arith.constant 0 : i32
    %dma_start3A_66 = tpu.memref_slice %arg3[%add3A_63, %dma_start3A_64, %dma_start3A_65] : memref<352x200x128xf32, #tpu.memory_space<hbm>> -> memref<1x200x128xf32, #tpu.memory_space<hbm>>
    %dma_start3A_67 = tpu.memref_squeeze %dma_start3A_66 : memref<1x200x128xf32, #tpu.memory_space<hbm>> -> memref<200x128xf32, #tpu.memory_space<hbm>>
    %dma_start3A_68 = arith.constant 0 : i32
    %dma_start3A_69 = arith.constant 0 : i32
    %dma_start3A_70 = tpu.memref_slice %arg3[%add3A_63, %dma_start3A_68, %dma_start3A_69] : memref<352x200x128xf32, #tpu.memory_space<hbm>> -> memref<1x200x128xf32, #tpu.memory_space<hbm>>
    %dma_start3A_71 = tpu.memref_squeeze %dma_start3A_70 : memref<1x200x128xf32, #tpu.memory_space<hbm>> -> memref<200x128xf32, #tpu.memory_space<hbm>>
    tpu.enqueue_dma source(%arg4 : memref<200x128xf32, #tpu.memory_space<vmem>>) target(%dma_start3A_71 : memref<200x128xf32, #tpu.memory_space<hbm>>) target_semaphore(%arg5 : memref<!tpu.dma_semaphore, #tpu.memory_space<semaphore_mem>>)
    %add3A_72 = arith.constant 7 : i32
    %add3A_73 = arith.addi %mul3A_2, %add3A_72 : i32
    %dma_start3A_74 = arith.constant 0 : i32
    %dma_start3A_75 = arith.constant 0 : i32
    %dma_start3A_76 = tpu.memref_slice %arg3[%add3A_73, %dma_start3A_74, %dma_start3A_75] : memref<352x200x128xf32, #tpu.memory_space<hbm>> -> memref<1x200x128xf32, #tpu.memory_space<hbm>>
    %dma_start3A_77 = tpu.memref_squeeze %dma_start3A_76 : memref<1x200x128xf32, #tpu.memory_space<hbm>> -> memref<200x128xf32, #tpu.memory_space<hbm>>
    %dma_start3A_78 = arith.constant 0 : i32
    %dma_start3A_79 = arith.constant 0 : i32
    %dma_start3A_80 = tpu.memref_slice %arg3[%add3A_73, %dma_start3A_78, %dma_start3A_79] : memref<352x200x128xf32, #tpu.memory_space<hbm>> -> memref<1x200x128xf32, #tpu.memory_space<hbm>>
    %dma_start3A_81 = tpu.memref_squeeze %dma_start3A_80 : memref<1x200x128xf32, #tpu.memory_space<hbm>> -> memref<200x128xf32, #tpu.memory_space<hbm>>
    tpu.enqueue_dma source(%arg4 : memref<200x128xf32, #tpu.memory_space<vmem>>) target(%dma_start3A_81 : memref<200x128xf32, #tpu.memory_space<hbm>>) target_semaphore(%arg5 : memref<!tpu.dma_semaphore, #tpu.memory_space<semaphore_mem>>)
    %add3A_82 = arith.constant 8 : i32
    %add3A_83 = arith.addi %mul3A_2, %add3A_82 : i32
    %dma_start3A_84 = arith.constant 0 : i32
    %dma_start3A_85 = arith.constant 0 : i32
    %dma_start3A_86 = tpu.memref_slice %arg3[%add3A_83, %dma_start3A_84, %dma_start3A_85] : memref<352x200x128xf32, #tpu.memory_space<hbm>> -> memref<1x200x128xf32, #tpu.memory_space<hbm>>
    %dma_start3A_87 = tpu.memref_squeeze %dma_start3A_86 : memref<1x200x128xf32, #tpu.memory_space<hbm>> -> memref<200x128xf32, #tpu.memory_space<hbm>>
    %dma_start3A_88 = arith.constant 0 : i32
    %dma_start3A_89 = arith.constant 0 : i32
    %dma_start3A_90 = tpu.memref_slice %arg3[%add3A_83, %dma_start3A_88, %dma_start3A_89] : memref<352x200x128xf32, #tpu.memory_space<hbm>> -> memref<1x200x128xf32, #tpu.memory_space<hbm>>
    %dma_start3A_91 = tpu.memref_squeeze %dma_start3A_90 : memref<1x200x128xf32, #tpu.memory_space<hbm>> -> memref<200x128xf32, #tpu.memory_space<hbm>>
    tpu.enqueue_dma source(%arg4 : memref<200x128xf32, #tpu.memory_space<vmem>>) target(%dma_start3A_91 : memref<200x128xf32, #tpu.memory_space<hbm>>) target_semaphore(%arg5 : memref<!tpu.dma_semaphore, #tpu.memory_space<semaphore_mem>>)
    %add3A_92 = arith.constant 9 : i32
    %add3A_93 = arith.addi %mul3A_2, %add3A_92 : i32
    %dma_start3A_94 = arith.constant 0 : i32
    %dma_start3A_95 = arith.constant 0 : i32
    %dma_start3A_96 = tpu.memref_slice %arg3[%add3A_93, %dma_start3A_94, %dma_start3A_95] : memref<352x200x128xf32, #tpu.memory_space<hbm>> -> memref<1x200x128xf32, #tpu.memory_space<hbm>>
    %dma_start3A_97 = tpu.memref_squeeze %dma_start3A_96 : memref<1x200x128xf32, #tpu.memory_space<hbm>> -> memref<200x128xf32, #tpu.memory_space<hbm>>
    %dma_start3A_98 = arith.constant 0 : i32
    %dma_start3A_99 = arith.constant 0 : i32
    %dma_start3A_100 = tpu.memref_slice %arg3[%add3A_93, %dma_start3A_98, %dma_start3A_99] : memref<352x200x128xf32, #tpu.memory_space<hbm>> -> memref<1x200x128xf32, #tpu.memory_space<hbm>>
    %dma_start3A_101 = tpu.memref_squeeze %dma_start3A_100 : memref<1x200x128xf32, #tpu.memory_space<hbm>> -> memref<200x128xf32, #tpu.memory_space<hbm>>
    tpu.enqueue_dma source(%arg4 : memref<200x128xf32, #tpu.memory_space<vmem>>) target(%dma_start3A_101 : memref<200x128xf32, #tpu.memory_space<hbm>>) target_semaphore(%arg5 : memref<!tpu.dma_semaphore, #tpu.memory_space<semaphore_mem>>)
    %add3A_102 = arith.constant 10 : i32
    %add3A_103 = arith.addi %mul3A_2, %add3A_102 : i32
    %dma_start3A_104 = arith.constant 0 : i32
    %dma_start3A_105 = arith.constant 0 : i32
    %dma_start3A_106 = tpu.memref_slice %arg3[%add3A_103, %dma_start3A_104, %dma_start3A_105] : memref<352x200x128xf32, #tpu.memory_space<hbm>> -> memref<1x200x128xf32, #tpu.memory_space<hbm>>
    %dma_start3A_107 = tpu.memref_squeeze %dma_start3A_106 : memref<1x200x128xf32, #tpu.memory_space<hbm>> -> memref<200x128xf32, #tpu.memory_space<hbm>>
    %dma_start3A_108 = arith.constant 0 : i32
    %dma_start3A_109 = arith.constant 0 : i32
    %dma_start3A_110 = tpu.memref_slice %arg3[%add3A_103, %dma_start3A_108, %dma_start3A_109] : memref<352x200x128xf32, #tpu.memory_space<hbm>> -> memref<1x200x128xf32, #tpu.memory_space<hbm>>
    %dma_start3A_111 = tpu.memref_squeeze %dma_start3A_110 : memref<1x200x128xf32, #tpu.memory_space<hbm>> -> memref<200x128xf32, #tpu.memory_space<hbm>>
    tpu.enqueue_dma source(%arg4 : memref<200x128xf32, #tpu.memory_space<vmem>>) target(%dma_start3A_111 : memref<200x128xf32, #tpu.memory_space<hbm>>) target_semaphore(%arg5 : memref<!tpu.dma_semaphore, #tpu.memory_space<semaphore_mem>>)
    %add3A_112 = arith.constant 0 : i32
    %add3A_113 = arith.addi %mul3A_2, %add3A_112 : i32
    %dma_wait3A = arith.constant 0 : i32
    %dma_wait3A_114 = arith.constant 0 : i32
    %dma_wait3A_115 = tpu.memref_slice %arg3[%add3A_113, %dma_wait3A, %dma_wait3A_114] : memref<352x200x128xf32, #tpu.memory_space<hbm>> -> memref<1x200x128xf32, #tpu.memory_space<hbm>>
    %dma_wait3A_116 = tpu.memref_squeeze %dma_wait3A_115 : memref<1x200x128xf32, #tpu.memory_space<hbm>> -> memref<200x128xf32, #tpu.memory_space<hbm>>
    %dma_wait3A_117 = arith.constant 0 : i32
    %dma_wait3A_118 = arith.constant 0 : i32
    %dma_wait3A_119 = tpu.memref_slice %arg3[%add3A_113, %dma_wait3A_117, %dma_wait3A_118] : memref<352x200x128xf32, #tpu.memory_space<hbm>> -> memref<1x200x128xf32, #tpu.memory_space<hbm>>
    %dma_wait3A_120 = tpu.memref_squeeze %dma_wait3A_119 : memref<1x200x128xf32, #tpu.memory_space<hbm>> -> memref<200x128xf32, #tpu.memory_space<hbm>>
    tpu.wait_dma2 semaphore(%arg5 : memref<!tpu.dma_semaphore, #tpu.memory_space<semaphore_mem>>) src(%arg4 : memref<200x128xf32, #tpu.memory_space<vmem>>) dst(%dma_wait3A_120 : memref<200x128xf32, #tpu.memory_space<hbm>>)
    %add3A_121 = arith.constant 1 : i32
    %add3A_122 = arith.addi %mul3A_2, %add3A_121 : i32
    %dma_wait3A_123 = arith.constant 0 : i32
    %dma_wait3A_124 = arith.constant 0 : i32
    %dma_wait3A_125 = tpu.memref_slice %arg3[%add3A_122, %dma_wait3A_123, %dma_wait3A_124] : memref<352x200x128xf32, #tpu.memory_space<hbm>> -> memref<1x200x128xf32, #tpu.memory_space<hbm>>
    %dma_wait3A_126 = tpu.memref_squeeze %dma_wait3A_125 : memref<1x200x128xf32, #tpu.memory_space<hbm>> -> memref<200x128xf32, #tpu.memory_space<hbm>>
    %dma_wait3A_127 = arith.constant 0 : i32
    %dma_wait3A_128 = arith.constant 0 : i32
    %dma_wait3A_129 = tpu.memref_slice %arg3[%add3A_122, %dma_wait3A_127, %dma_wait3A_128] : memref<352x200x128xf32, #tpu.memory_space<hbm>> -> memref<1x200x128xf32, #tpu.memory_space<hbm>>
    %dma_wait3A_130 = tpu.memref_squeeze %dma_wait3A_129 : memref<1x200x128xf32, #tpu.memory_space<hbm>> -> memref<200x128xf32, #tpu.memory_space<hbm>>
    tpu.wait_dma2 semaphore(%arg5 : memref<!tpu.dma_semaphore, #tpu.memory_space<semaphore_mem>>) src(%arg4 : memref<200x128xf32, #tpu.memory_space<vmem>>) dst(%dma_wait3A_130 : memref<200x128xf32, #tpu.memory_space<hbm>>)
    %add3A_131 = arith.constant 2 : i32
    %add3A_132 = arith.addi %mul3A_2, %add3A_131 : i32
    %dma_wait3A_133 = arith.constant 0 : i32
    %dma_wait3A_134 = arith.constant 0 : i32
    %dma_wait3A_135 = tpu.memref_slice %arg3[%add3A_132, %dma_wait3A_133, %dma_wait3A_134] : memref<352x200x128xf32, #tpu.memory_space<hbm>> -> memref<1x200x128xf32, #tpu.memory_space<hbm>>
    %dma_wait3A_136 = tpu.memref_squeeze %dma_wait3A_135 : memref<1x200x128xf32, #tpu.memory_space<hbm>> -> memref<200x128xf32, #tpu.memory_space<hbm>>
    %dma_wait3A_137 = arith.constant 0 : i32
    %dma_wait3A_138 = arith.constant 0 : i32
    %dma_wait3A_139 = tpu.memref_slice %arg3[%add3A_132, %dma_wait3A_137, %dma_wait3A_138] : memref<352x200x128xf32, #tpu.memory_space<hbm>> -> memref<1x200x128xf32, #tpu.memory_space<hbm>>
    %dma_wait3A_140 = tpu.memref_squeeze %dma_wait3A_139 : memref<1x200x128xf32, #tpu.memory_space<hbm>> -> memref<200x128xf32, #tpu.memory_space<hbm>>
    tpu.wait_dma2 semaphore(%arg5 : memref<!tpu.dma_semaphore, #tpu.memory_space<semaphore_mem>>) src(%arg4 : memref<200x128xf32, #tpu.memory_space<vmem>>) dst(%dma_wait3A_140 : memref<200x128xf32, #tpu.memory_space<hbm>>)
    %add3A_141 = arith.constant 3 : i32
    %add3A_142 = arith.addi %mul3A_2, %add3A_141 : i32
    %dma_wait3A_143 = arith.constant 0 : i32
    %dma_wait3A_144 = arith.constant 0 : i32
    %dma_wait3A_145 = tpu.memref_slice %arg3[%add3A_142, %dma_wait3A_143, %dma_wait3A_144] : memref<352x200x128xf32, #tpu.memory_space<hbm>> -> memref<1x200x128xf32, #tpu.memory_space<hbm>>
    %dma_wait3A_146 = tpu.memref_squeeze %dma_wait3A_145 : memref<1x200x128xf32, #tpu.memory_space<hbm>> -> memref<200x128xf32, #tpu.memory_space<hbm>>
    %dma_wait3A_147 = arith.constant 0 : i32
    %dma_wait3A_148 = arith.constant 0 : i32
    %dma_wait3A_149 = tpu.memref_slice %arg3[%add3A_142, %dma_wait3A_147, %dma_wait3A_148] : memref<352x200x128xf32, #tpu.memory_space<hbm>> -> memref<1x200x128xf32, #tpu.memory_space<hbm>>
    %dma_wait3A_150 = tpu.memref_squeeze %dma_wait3A_149 : memref<1x200x128xf32, #tpu.memory_space<hbm>> -> memref<200x128xf32, #tpu.memory_space<hbm>>
    tpu.wait_dma2 semaphore(%arg5 : memref<!tpu.dma_semaphore, #tpu.memory_space<semaphore_mem>>) src(%arg4 : memref<200x128xf32, #tpu.memory_space<vmem>>) dst(%dma_wait3A_150 : memref<200x128xf32, #tpu.memory_space<hbm>>)
    %add3A_151 = arith.constant 4 : i32
    %add3A_152 = arith.addi %mul3A_2, %add3A_151 : i32
    %dma_wait3A_153 = arith.constant 0 : i32
    %dma_wait3A_154 = arith.constant 0 : i32
    %dma_wait3A_155 = tpu.memref_slice %arg3[%add3A_152, %dma_wait3A_153, %dma_wait3A_154] : memref<352x200x128xf32, #tpu.memory_space<hbm>> -> memref<1x200x128xf32, #tpu.memory_space<hbm>>
    %dma_wait3A_156 = tpu.memref_squeeze %dma_wait3A_155 : memref<1x200x128xf32, #tpu.memory_space<hbm>> -> memref<200x128xf32, #tpu.memory_space<hbm>>
    %dma_wait3A_157 = arith.constant 0 : i32
    %dma_wait3A_158 = arith.constant 0 : i32
    %dma_wait3A_159 = tpu.memref_slice %arg3[%add3A_152, %dma_wait3A_157, %dma_wait3A_158] : memref<352x200x128xf32, #tpu.memory_space<hbm>> -> memref<1x200x128xf32, #tpu.memory_space<hbm>>
    %dma_wait3A_160 = tpu.memref_squeeze %dma_wait3A_159 : memref<1x200x128xf32, #tpu.memory_space<hbm>> -> memref<200x128xf32, #tpu.memory_space<hbm>>
    tpu.wait_dma2 semaphore(%arg5 : memref<!tpu.dma_semaphore, #tpu.memory_space<semaphore_mem>>) src(%arg4 : memref<200x128xf32, #tpu.memory_space<vmem>>) dst(%dma_wait3A_160 : memref<200x128xf32, #tpu.memory_space<hbm>>)
    %add3A_161 = arith.constant 5 : i32
    %add3A_162 = arith.addi %mul3A_2, %add3A_161 : i32
    %dma_wait3A_163 = arith.constant 0 : i32
    %dma_wait3A_164 = arith.constant 0 : i32
    %dma_wait3A_165 = tpu.memref_slice %arg3[%add3A_162, %dma_wait3A_163, %dma_wait3A_164] : memref<352x200x128xf32, #tpu.memory_space<hbm>> -> memref<1x200x128xf32, #tpu.memory_space<hbm>>
    %dma_wait3A_166 = tpu.memref_squeeze %dma_wait3A_165 : memref<1x200x128xf32, #tpu.memory_space<hbm>> -> memref<200x128xf32, #tpu.memory_space<hbm>>
    %dma_wait3A_167 = arith.constant 0 : i32
    %dma_wait3A_168 = arith.constant 0 : i32
    %dma_wait3A_169 = tpu.memref_slice %arg3[%add3A_162, %dma_wait3A_167, %dma_wait3A_168] : memref<352x200x128xf32, #tpu.memory_space<hbm>> -> memref<1x200x128xf32, #tpu.memory_space<hbm>>
    %dma_wait3A_170 = tpu.memref_squeeze %dma_wait3A_169 : memref<1x200x128xf32, #tpu.memory_space<hbm>> -> memref<200x128xf32, #tpu.memory_space<hbm>>
    tpu.wait_dma2 semaphore(%arg5 : memref<!tpu.dma_semaphore, #tpu.memory_space<semaphore_mem>>) src(%arg4 : memref<200x128xf32, #tpu.memory_space<vmem>>) dst(%dma_wait3A_170 : memref<200x128xf32, #tpu.memory_space<hbm>>)
    %add3A_171 = arith.constant 6 : i32
    %add3A_172 = arith.addi %mul3A_2, %add3A_171 : i32
    %dma_wait3A_173 = arith.constant 0 : i32
    %dma_wait3A_174 = arith.constant 0 : i32
    %dma_wait3A_175 = tpu.memref_slice %arg3[%add3A_172, %dma_wait3A_173, %dma_wait3A_174] : memref<352x200x128xf32, #tpu.memory_space<hbm>> -> memref<1x200x128xf32, #tpu.memory_space<hbm>>
    %dma_wait3A_176 = tpu.memref_squeeze %dma_wait3A_175 : memref<1x200x128xf32, #tpu.memory_space<hbm>> -> memref<200x128xf32, #tpu.memory_space<hbm>>
    %dma_wait3A_177 = arith.constant 0 : i32
    %dma_wait3A_178 = arith.constant 0 : i32
    %dma_wait3A_179 = tpu.memref_slice %arg3[%add3A_172, %dma_wait3A_177, %dma_wait3A_178] : memref<352x200x128xf32, #tpu.memory_space<hbm>> -> memref<1x200x128xf32, #tpu.memory_space<hbm>>
    %dma_wait3A_180 = tpu.memref_squeeze %dma_wait3A_179 : memref<1x200x128xf32, #tpu.memory_space<hbm>> -> memref<200x128xf32, #tpu.memory_space<hbm>>
    tpu.wait_dma2 semaphore(%arg5 : memref<!tpu.dma_semaphore, #tpu.memory_space<semaphore_mem>>) src(%arg4 : memref<200x128xf32, #tpu.memory_space<vmem>>) dst(%dma_wait3A_180 : memref<200x128xf32, #tpu.memory_space<hbm>>)
    %add3A_181 = arith.constant 7 : i32
    %add3A_182 = arith.addi %mul3A_2, %add3A_181 : i32
    %dma_wait3A_183 = arith.constant 0 : i32
    %dma_wait3A_184 = arith.constant 0 : i32
    %dma_wait3A_185 = tpu.memref_slice %arg3[%add3A_182, %dma_wait3A_183, %dma_wait3A_184] : memref<352x200x128xf32, #tpu.memory_space<hbm>> -> memref<1x200x128xf32, #tpu.memory_space<hbm>>
    %dma_wait3A_186 = tpu.memref_squeeze %dma_wait3A_185 : memref<1x200x128xf32, #tpu.memory_space<hbm>> -> memref<200x128xf32, #tpu.memory_space<hbm>>
    %dma_wait3A_187 = arith.constant 0 : i32
    %dma_wait3A_188 = arith.constant 0 : i32
    %dma_wait3A_189 = tpu.memref_slice %arg3[%add3A_182, %dma_wait3A_187, %dma_wait3A_188] : memref<352x200x128xf32, #tpu.memory_space<hbm>> -> memref<1x200x128xf32, #tpu.memory_space<hbm>>
    %dma_wait3A_190 = tpu.memref_squeeze %dma_wait3A_189 : memref<1x200x128xf32, #tpu.memory_space<hbm>> -> memref<200x128xf32, #tpu.memory_space<hbm>>
    tpu.wait_dma2 semaphore(%arg5 : memref<!tpu.dma_semaphore, #tpu.memory_space<semaphore_mem>>) src(%arg4 : memref<200x128xf32, #tpu.memory_space<vmem>>) dst(%dma_wait3A_190 : memref<200x128xf32, #tpu.memory_space<hbm>>)
    %add3A_191 = arith.constant 8 : i32
    %add3A_192 = arith.addi %mul3A_2, %add3A_191 : i32
    %dma_wait3A_193 = arith.constant 0 : i32
    %dma_wait3A_194 = arith.constant 0 : i32
    %dma_wait3A_195 = tpu.memref_slice %arg3[%add3A_192, %dma_wait3A_193, %dma_wait3A_194] : memref<352x200x128xf32, #tpu.memory_space<hbm>> -> memref<1x200x128xf32, #tpu.memory_space<hbm>>
    %dma_wait3A_196 = tpu.memref_squeeze %dma_wait3A_195 : memref<1x200x128xf32, #tpu.memory_space<hbm>> -> memref<200x128xf32, #tpu.memory_space<hbm>>
    %dma_wait3A_197 = arith.constant 0 : i32
    %dma_wait3A_198 = arith.constant 0 : i32
    %dma_wait3A_199 = tpu.memref_slice %arg3[%add3A_192, %dma_wait3A_197, %dma_wait3A_198] : memref<352x200x128xf32, #tpu.memory_space<hbm>> -> memref<1x200x128xf32, #tpu.memory_space<hbm>>
    %dma_wait3A_200 = tpu.memref_squeeze %dma_wait3A_199 : memref<1x200x128xf32, #tpu.memory_space<hbm>> -> memref<200x128xf32, #tpu.memory_space<hbm>>
    tpu.wait_dma2 semaphore(%arg5 : memref<!tpu.dma_semaphore, #tpu.memory_space<semaphore_mem>>) src(%arg4 : memref<200x128xf32, #tpu.memory_space<vmem>>) dst(%dma_wait3A_200 : memref<200x128xf32, #tpu.memory_space<hbm>>)
    %add3A_201 = arith.constant 9 : i32
    %add3A_202 = arith.addi %mul3A_2, %add3A_201 : i32
    %dma_wait3A_203 = arith.constant 0 : i32
    %dma_wait3A_204 = arith.constant 0 : i32
    %dma_wait3A_205 = tpu.memref_slice %arg3[%add3A_202, %dma_wait3A_203, %dma_wait3A_204] : memref<352x200x128xf32, #tpu.memory_space<hbm>> -> memref<1x200x128xf32, #tpu.memory_space<hbm>>
    %dma_wait3A_206 = tpu.memref_squeeze %dma_wait3A_205 : memref<1x200x128xf32, #tpu.memory_space<hbm>> -> memref<200x128xf32, #tpu.memory_space<hbm>>
    %dma_wait3A_207 = arith.constant 0 : i32
    %dma_wait3A_208 = arith.constant 0 : i32
    %dma_wait3A_209 = tpu.memref_slice %arg3[%add3A_202, %dma_wait3A_207, %dma_wait3A_208] : memref<352x200x128xf32, #tpu.memory_space<hbm>> -> memref<1x200x128xf32, #tpu.memory_space<hbm>>
    %dma_wait3A_210 = tpu.memref_squeeze %dma_wait3A_209 : memref<1x200x128xf32, #tpu.memory_space<hbm>> -> memref<200x128xf32, #tpu.memory_space<hbm>>
    tpu.wait_dma2 semaphore(%arg5 : memref<!tpu.dma_semaphore, #tpu.memory_space<semaphore_mem>>) src(%arg4 : memref<200x128xf32, #tpu.memory_space<vmem>>) dst(%dma_wait3A_210 : memref<200x128xf32, #tpu.memory_space<hbm>>)
    %add3A_211 = arith.constant 10 : i32
    %add3A_212 = arith.addi %mul3A_2, %add3A_211 : i32
    %dma_wait3A_213 = arith.constant 0 : i32
    %dma_wait3A_214 = arith.constant 0 : i32
    %dma_wait3A_215 = tpu.memref_slice %arg3[%add3A_212, %dma_wait3A_213, %dma_wait3A_214] : memref<352x200x128xf32, #tpu.memory_space<hbm>> -> memref<1x200x128xf32, #tpu.memory_space<hbm>>
    %dma_wait3A_216 = tpu.memref_squeeze %dma_wait3A_215 : memref<1x200x128xf32, #tpu.memory_space<hbm>> -> memref<200x128xf32, #tpu.memory_space<hbm>>
    %dma_wait3A_217 = arith.constant 0 : i32
    %dma_wait3A_218 = arith.constant 0 : i32
    %dma_wait3A_219 = tpu.memref_slice %arg3[%add3A_212, %dma_wait3A_217, %dma_wait3A_218] : memref<352x200x128xf32, #tpu.memory_space<hbm>> -> memref<1x200x128xf32, #tpu.memory_space<hbm>>
    %dma_wait3A_220 = tpu.memref_squeeze %dma_wait3A_219 : memref<1x200x128xf32, #tpu.memory_space<hbm>> -> memref<200x128xf32, #tpu.memory_space<hbm>>
    tpu.wait_dma2 semaphore(%arg5 : memref<!tpu.dma_semaphore, #tpu.memory_space<semaphore_mem>>) src(%arg4 : memref<200x128xf32, #tpu.memory_space<vmem>>) dst(%dma_wait3A_220 : memref<200x128xf32, #tpu.memory_space<hbm>>)
    return
  }
}

module attributes {stable_mosaic.version = 14 : i64} {
  func.func @_broadcast_body(%arg0: i32, %arg1: memref<200x128xf32, #tpu.memory_space<vmem>>, %arg2: memref<32x200x128xf32, #tpu.memory_space<vmem>>) attributes {dimension_semantics = [#tpu.dimension_semantics<arbitrary>], iteration_bounds = array<i64: 21>, scalar_prefetch = 0 : i64, scratch_operands = 0 : i64, tpu.core_type = #tpu.core_type<tc>, window_params = [{pipeline_mode = #tpu.pipeline_mode<synchronous>, transform_indices = @transform_0, window_bounds = array<i64: 200, 128>}, {transform_indices = @transform_1, window_bounds = array<i64: 32, 200, 128>}]} {
    %get3A = arith.constant 0 : index
    %get3A_0 = arith.constant 0 : index
    %get3A_1 = vector.load %arg1[%get3A, %get3A_0] : memref<200x128xf32, #tpu.memory_space<vmem>>, vector<200x128xf32>
    %broadcast_in_dim3A = vector.shape_cast %get3A_1 : vector<200x128xf32> to vector<1x200x128xf32>
    %broadcast_in_dim3A_2 = vector.shape_cast %broadcast_in_dim3A : vector<1x200x128xf32> to vector<1x200x128xf32>
    %broadcast_in_dim3A_3 = vector.broadcast %broadcast_in_dim3A_2 : vector<1x200x128xf32> to vector<32x200x128xf32>
    %swap3A = arith.constant 0 : index
    %swap3A_4 = arith.constant 0 : index
    %swap3A_5 = arith.constant 0 : index
    %swap3A_6 = vector.load %arg2[%swap3A, %swap3A_4, %swap3A_5] : memref<32x200x128xf32, #tpu.memory_space<vmem>>, vector<32x200x128xf32>
    tpu.vector_store %arg2[%swap3A, %swap3A_4, %swap3A_5], %broadcast_in_dim3A_3 {strides = array<i32>} : memref<32x200x128xf32, #tpu.memory_space<vmem>>, vector<32x200x128xf32>,
    return
  }
  func.func @transform_0(%arg0: i32) -> (i32, i32) {
    %c0_i32 = arith.constant 0 : i32
    %c0_i32_0 = arith.constant 0 : i32
    %c0_i32_1 = arith.constant 0 : i32
    return %c0_i32, %c0_i32_0 : i32, i32
  }
  func.func @transform_1(%arg0: i32) -> (i32, i32, i32) {
    %c0_i32 = arith.constant 0 : i32
    %c0_i32_0 = arith.constant 0 : i32
    %c0_i32_1 = arith.constant 0 : i32
    return %arg0, %c0_i32, %c0_i32_0 : i32, i32, i32
  }
}

</mosaic_0001>

<sc_bundles>
// kernel: kernel.4.cloned.1.call-start
scs
__scs_entry_jumppad:
0x0: {  	(pc) =	sbr.rel $0x88, $3  }
0x1: {  	(tag) =	ssettag $0x0;
	lr =	simm.s32 $0x1  }
0x2: {  	[smem:$0x3FA0] =	sst lr;
	_ =	strace $0xD0000000  }
0x3: {  	_ = 	snop  }
0x4: {  	_ = 	snop  }
0x5: {  	_ = 	snop  }
0x6: {  	_ = 	snop  }
0x7: {  	_ = 	snop  }
__scs_overlays_trampoline_lowered:
0x8: {  	[smem:$0x3FAF] =	sst s0  }
0x9: {  	[smem:$0x3FB0] =	sst s1  }
0xa: {  	[smem:$0x3FB1] =	sst s2  }
0xb: {  	[smem:$0x3FB2] =	sst s3  }
0xc: {  	[smem:$0x3FB3] =	sst s4  }
0xd: {  	[smem:$0x3FB4] =	sst s5  }
0xe: {  	[smem:$0x3FB5] =	sst s6  }
0xf: {  	[smem:$0x3FB6] =	sst s7  }
0x10: {  	[smem:$0x3FB7] =	sst s8  }
0x11: {  	[smem:$0x3FB8] =	sst s9;
	s0 =	simm.s32 @!p0 $0x0  }
0x12: {  	s1 =	sld [smem:$0x3F9E];
	s0 =	simm.s32 @p0 $0x1  }
0x13: {  	[smem:$0x3FB9] =	sst s0;
	s0 =	simm.s32 @!p1 $0x0  }
0x14: {  	s2 =	sld [smem:$0x3F9D];
	s0 =	simm.s32 @p1 $0x1  }
0x15: {  	[smem:$0x3FBA] =	sst s0;
	s0 =	simm.s32 @!p2 $0x0  }
0x16: {  	s3 =	sld [smem:$0x3FDB];
	s0 =	simm.s32 @p2 $0x1  }
0x17: {  	s4 =	simm.s32 $0x1BF5;
	[smem:$0x3FBC] =	sst s0  }
0x18: {  	s0 =	sld [smem:$0x3F9F];
	_ =	swait.ge [sflag:s4], $0x0  }
0x19: {  	s7 =	sld [smem:$0x3FA0]  }
0x1a: {  	s8 =	sadd.s32 $0xFFFFE003, lr  }
0x1b: {  	s9 =	sadd.s32 $0xFFFFFEF7, lr;
	s5 =	simm.s32 $0xFFFFFFFF;
	p2 =	slt.u32 s8, $0xFFFFF086  }
0x1c: {  	p1 =	slt.u32 s9, $0xF7A;
	s5 =	simm.s32 @!p2 $0x0  }
0x1d: {  	s5 =	simm.s32 @p1 $0x1;
	p0 =	seq.s32 s7, s2  }
0x1e: {  	s7 =	smul.u32 @!p0 $0xF7A, s2;
	p2 =	seq.s32 @!p0 s5, $0x0  }
0x1f: {  	s9 =	smul.u32 $0xF7A, s1;
	s8 =	simm.s32 @!p0 $0x1BF5;
	p2 =	por !p2, p0  }
0x20: {  	[sflag:s8] =	ssyncset.s32 @!p0 $0xFFFFF086;
	s6 =	sadd.s32 @!p0 s3, s7;
	s7 =	simm.s32 @!p0 $0x108  }
0x21: {  	s3 =	sadd.s32 s3, s9;
	s6 =	sadd.s32 @!p0 $0x88, s6;
	s7 =	simm.s32 @p2 $0x1082  }
0x22: {  	[simem:s7], [sflag:s8] =	dma.local @!p0 [hbm:s6], $0xF7A  }
0x23: {  	s9 =	sor.u32 $0xD0000000, s2;
	s6 =	simm.s32 $0x108;
	_ =	swait.ge @!p0 [sflag:s8], $0x0  }
0x24: {  	s3 =	sadd.s32 $0x88, s3;
	s6 =	simm.s32 @!p1 $0x1082;
	[sflag:s4] =	ssyncset.s32 $0xFFFFF086  }
0x25: {  	[simem:s6], [sflag:s4] =	dma.local [hbm:s3], $0xF7A  }
0x26: {  	[smem:$0x3FA0] =	sst s1;
	(tag) =	ssettag s2;
	_ =	strace s9  }
0x27: {  	s1 =	sld [smem:$0x3FB0]  }
0x28: {  	s2 =	sld [smem:$0x3FB1]  }
0x29: {  	s4 =	sld [smem:$0x3FB3]  }
0x2a: {  	p0 =	seq.s32 s5, $0x0;
	s5 =	sld [smem:$0x3FB4]  }
0x2b: {  	s6 =	sld [smem:$0x3FB5]  }
0x2c: {  	s7 =	sld [smem:$0x3FB6]  }
0x2d: {  	s3 =	simm.s32 $0x108;
	s8 =	sld [smem:$0x3FB7]  }
0x2e: {  	s3 =	simm.s32 @!p0 $0x1082;
	s9 =	sld [smem:$0x3FB8]  }
0x2f: {  	lr =	sadd.s32 s0, s3;
	s0 =	sld [smem:$0x3FAF]  }
0x30: {  	s3 =	sld [smem:$0x3FB2]  }
0x31: {  	[smem:$0x3FBB] =	sst s10  }
0x32: {  	s10 =	sld [smem:$0x3FB9];
	_ =	sdelay $0x3  }
0x33: {  	p0 =	seq.s32 s10, $0x1;
	s10 =	sld [smem:$0x3FBB];
	_ =	sdelay $0x3  }
0x34: {  	[smem:$0x3FBB] =	sst s10  }
0x35: {  	s10 =	sld [smem:$0x3FBA];
	_ =	sdelay $0x3  }
0x36: {  	p1 =	seq.s32 s10, $0x1;
	s10 =	sld [smem:$0x3FBB];
	_ =	sdelay $0x3  }
0x37: {  	[smem:$0x3FBB] =	sst s10  }
0x38: {  	s10 =	sld [smem:$0x3FBC]  }
0x39: {  	_ = 	snop;
	(pc) =	sbr.ind lr, $3  }
0x3a: {  	_ = 	snop  }
0x3b: {  	_ = 	snop  }
0x3c: {  	p2 =	seq.s32 s10, $0x1;
	s10 =	sld [smem:$0x3FBB]  }
0x3d: {  	_ =	shalt  }
0x3e: {  	_ =	shalt  }
0x3f: {  	_ =	shalt  }
0x40: {  	_ =	shalt  }
0x41: {  	_ =	shalt  }
0x42: {  	_ =	shalt  }
0x43: {  	_ =	shalt  }
0x44: {  	_ =	shalt  }
0x45: {  	_ =	shalt  }
0x46: {  	_ =	shalt  }
0x47: {  	_ =	shalt  }
0x48: {  	_ =	shalt  }
0x49: {  	_ =	shalt  }
0x4a: {  	_ =	shalt  }
0x4b: {  	_ =	shalt  }
0x4c: {  	_ =	shalt  }
0x4d: {  	_ =	shalt  }
0x4e: {  	_ =	shalt  }
0x4f: {  	_ =	shalt  }
0x50: {  	_ =	shalt  }
0x51: {  	_ =	shalt  }
0x52: {  	_ =	shalt  }
0x53: {  	_ =	shalt  }
0x54: {  	_ =	shalt  }
0x55: {  	_ =	shalt  }
0x56: {  	_ =	shalt  }
0x57: {  	_ =	shalt  }
0x58: {  	_ =	shalt  }
0x59: {  	_ =	shalt  }
0x5a: {  	_ =	shalt  }
0x5b: {  	_ =	shalt  }
0x5c: {  	_ =	shalt  }
0x5d: {  	_ =	shalt  }
0x5e: {  	_ =	shalt  }
0x5f: {  	_ =	shalt  }
0x60: {  	_ =	shalt  }
0x61: {  	_ =	shalt  }
0x62: {  	_ =	shalt  }
0x63: {  	_ =	shalt  }
0x64: {  	_ =	shalt  }
0x65: {  	_ =	shalt  }
0x66: {  	_ =	shalt  }
0x67: {  	_ =	shalt  }
0x68: {  	_ =	shalt  }
0x69: {  	_ =	shalt  }
0x6a: {  	_ =	shalt  }
0x6b: {  	_ =	shalt  }
0x6c: {  	_ =	shalt  }
0x6d: {  	_ =	shalt  }
0x6e: {  	_ =	shalt  }
0x6f: {  	_ =	shalt  }
0x70: {  	_ =	shalt  }
0x71: {  	_ =	shalt  }
0x72: {  	_ =	shalt  }
0x73: {  	_ =	shalt  }
0x74: {  	_ =	shalt  }
0x75: {  	_ =	shalt  }
0x76: {  	_ =	shalt  }
0x77: {  	_ =	shalt  }
0x78: {  	_ =	shalt  }
0x79: {  	_ =	shalt  }
0x7a: {  	_ =	shalt  }
0x7b: {  	_ =	shalt  }
0x7c: {  	_ =	shalt  }
0x7d: {  	_ =	shalt  }
0x7e: {  	_ =	shalt  }
0x7f: {  	_ =	shalt  }
0x80: {  	_ =	shalt  }
0x81: {  	_ =	shalt  }
0x82: {  	_ =	shalt  }
0x83: {  	_ =	shalt  }
0x84: {  	_ =	shalt  }
0x85: {  	_ =	shalt  }
0x86: {  	_ =	shalt  }
0x87: {  	_ =	shalt  }
.Lfunc_end0:
.L_simem_size_0:
called_computation_lowered:
.L_overlay_start_0:
0x88: {  	s2 =	sld [smem:$0x3FD9]  }
0x89: {  	s3 =	sld [smem:$0x3FFE];
	_ =	sdelay $0x1  }
0x8a: {  	s1 =	srdreg.scid  }
0x8b: {  	s0 =	sand.u32 $0x1, s1  }
0x8c: {  	s17 =	sshll.u32 s0, $0xA;
	s2 =	sadd.s32 s3, s2  }
0x8d: {  	s2 =	sadd.s32 s2, s17  }
0x8e: {  	[smem:$0x3FC7] =	sst s2  }
0x8f: {  	_ = 	snop  }
0x90: {  	s2 =	sld [smem:$0x3FC9];
	(tm) =	ssettm $0x1  }
0x91: {  	s18 =	sld [smem:$0x3FFB];
	_ =	sdelay $0x3  }
0x92: {  	_ =	strace s18  }
0x93: {  	s3 =	sld [smem:$0x3FFC];
	_ =	sdelay $0x3  }
0x94: {  	_ =	strace s3  }
0x95: {  	s3 =	sld [smem:$0x3FFD];
	_ =	sdelay $0x3  }
0x96: {  	_ =	strace s3  }
0x97: {  	_ =	strace $0x8FFFFFFF  }
0x98: {  	s19 =	sld [smem:$0x3FDB];
	_ =	sdelay $0x1  }
0x99: {  	s4 =	simm.s32 $_scs_section_size  }
0x9a: {  	s5 =	simm.s32 $_size__tile_overlayer_lowered;
	s6 =	simm.s32 $_tile_overlayer_lowered  }
0x9b: {  	s22 =	simm.s32 $0x1BFF;
	s21 =	sshll.u32 s6, $0x1;
	s3 =	sadd.s32 s4, s19  }
0x9c: {  	s7 =	simm.s32 $0x0;
	s20 =	sshll.u32 s5, $0x1;
	s5 =	sadd.s32 s21, s3  }
0x9d: {  	[timem:s7], [sflag:s22] =	dma.local [hbm:s5], s20  }
0x9e: {  	_ =	swait.ge [sflag:s22], s20  }
0x9f: {  	s4 =	ssub.s32 $0x0, s20;
	[sflag:s22] =	ssyncset.done $0x0  }
0xa0: {  	[sflag:s22] =	ssyncadd.s32 s4;
	_ =	sdelay $0x1  }
0xa1: {  	s23 =	simm.s32 $0x1B8B  }
0xa2: {  	_ =	swait.ge [sflag:s23], $0x1  }
0xa3: {  	[sflag:s23] =	ssyncset.done $0x0  }
0xa4: {  	s25 =	simm.s32 $0x1B8E;
	s24 =	sld [smem:$0x3FFE];
	[sflag:s23] =	ssyncadd.s32 $0xFFFFFFFF  }
0xa5: {  	s26 =	simm.s32 $execute0_lowered;
	[smem:$0x3FD2] =	sst s25  }
0xa6: {  	s5 =	sshll.u32 s26, $0x1;
	_ =	strace $0x80000046;
	[dreg:$0x1] =	wrdreg $0xFFFFFFFF  }
0xa7: {  	s28 =	simm.s32 $_size_execute0_lowered;
	s3 =	sadd.s32 s3, s5;
	[dreg:$0x0] =	wrdreg $0x0  }
0xa8: {  	s5 =	sshll.u32 s28, $0x1;
	[dreg:$0x2] =	wrdreg s3  }
0xa9: {  	[dreg:$0x3] =	wrdreg s5  }
0xaa: {  	[dreg:$0x4] =	wrdreg $0xC0  }
0xab: {  	_ =	task [dreg:s7], $0x5FFFF  }
0xac: {  	[dreg:$0x1] =	wrdreg $0xFFFFFFFF  }
0xad: {  	[dreg:$0x0] =	wrdreg $0x60  }
0xae: {  	[dreg:$0x2] =	wrdreg s2  }
0xaf: {  	[dreg:$0x3] =	wrdreg s24  }
0xb0: {  	[dreg:$0x4] =	wrdreg $0x9  }
0xb1: {  	_ =	task.clear_ibuf [dreg:s7], $0x5FFFF;
	_ =	strace $0x90000046  }
0xb2: {  	s29 =	simm.s32 $0x9;
	_ =	strace $0x80000048  }
0xb3: {  	_ =	swait.ge [sflag:s29], $0x1  }
0xb4: {  	[sflag:s29] =	ssyncadd.s32 $0xFFFFFFFF  }
0xb5: {  	_ =	strace $0x90000048  }
0xb6: {  	_ =	sfence  }
0xb7: {  	s30 =	sld [smem:$0x0];
	_ =	sdelay $0x2  }
0xb8: {  	s31 =	sshll.u32 s1, $0xD;
	s1 =	sshrl.u32 s1, $0x2  }
0xb9: {  	s3 =	sand.u32 $0x4000, s31;
	s1 =	sadd.s32 s1, s30  }
0xba: {  	s0 =	sor.u32 s3, s0;
	s1 =	sshll.u32 s1, $0x11  }
0xbb: {  	s0 =	sor.u32 s1, s0  }
0xbc: {  	s0 =	sadd.s32 $0x8F2B, s0  }
0xbd: {  	[sflag:s0] =	ssyncadd.remote.s32 $0x1  }
0xbe: {  	_ =	sfence.sel $0xFFFF  }
0xbf: {  	[dreg:$0x0] =	wrdreg $0xFFFFFFFF;
	(pc) =	sbr.abs _section_cstart, $3  }
0xc0: {  	[dreg:$0x1] =	wrdreg $0xFFFFFFFF  }
0xc1: {  	_ =	task.clear_ibuf [dreg:s7], $0x2FFFF;
	_ =	strace $0x9FFFFFFF  }
0xc2: {  	(tm) =	ssettm $0x7FFFFFFF  }
0xc3: {  	_ =	shalt  }
tec
execute0_lowered:
.L_overlay_start_1:
0x0: {  	(tag) =	ssettag $0x1  }
0x1: {  	s2 =	rddreg [dreg:$0x0]  }
0x2: {  	s5 =	rddreg [dreg:$0x1]  }
0x3: {  	s0 =	rddreg [dreg:$0x2]  }
0x4: {  	s4 =	srdreg.scid;
	s1 =	stileid.u32  }
0x5: {  	s3 =	simm.s32 $0x0;
	s17 =	sand.u32 $0x1, s4;
	s31 =	sshll.u32 s1, $0x1  }
0x6: {  	[smem:$0x7FF] =	sst s3;
	s6 =	sor.u32 s17, s31  }
0x7: {  	s4 =	simm.s32 $0x2;
	_ =	strace $0x80000047;
	s7 =	smul.u32 $0x44C00, s6  }
0x8: {  	[tilespmem:s3], [sflag:$0x2] =	stream.linear.gather [hbm4b:s2+s3], $0x6400, $0x38;
	[tilespmem:$0x6400] =	vst v63  }
0x9: {  	s6 =	smul.u32 $0x8980, s6;
	_ =	swait.ge [sflag:s4], $0x6400  }
0xa: {  	s8 =	sadd.s32 $0x600, s5;
	s7 =	sshrl.u32 s7, $0x3;
	[sflag:s4] =	ssyncset.done $0x0  }
0xb: {  	s5 =	sadd.s32 s8, s6;
	s15 =	sadd.s32 s8, s7;
	[sflag:s4] =	ssyncadd.s32 $0xFFFF9C00  }
0xc: {  	[hbm4b:s5+s3] =	stream.linear.scatter [tilespmem:s3], [sflag:$0x1], $0x6400, $0x38;
	[tilespmem:$0x6400] =	vst v63  }
0xd: {  	s6 =	sadd.s32 $0xC80, s15  }
0xe: {  	[hbm4b:s6+s3] =	stream.linear.scatter [tilespmem:s3], [sflag:$0x1], $0x6400, $0x38;
	[tilespmem:$0x6400] =	vst v63  }
0xf: {  	s7 =	sadd.s32 $0x1900, s15  }
0x10: {  	[hbm4b:s7+s3] =	stream.linear.scatter [tilespmem:s3], [sflag:$0x1], $0x6400, $0x38;
	[tilespmem:$0x6400] =	vst v63  }
0x11: {  	s8 =	sadd.s32 $0x2580, s15  }
0x12: {  	[hbm4b:s8+s3] =	stream.linear.scatter [tilespmem:s3], [sflag:$0x1], $0x6400, $0x38;
	[tilespmem:$0x6400] =	vst v63  }
0x13: {  	s9 =	sadd.s32 $0x3200, s15  }
0x14: {  	[hbm4b:s9+s3] =	stream.linear.scatter [tilespmem:s3], [sflag:$0x1], $0x6400, $0x38;
	[tilespmem:$0x6400] =	vst v63  }
0x15: {  	s10 =	sadd.s32 $0x3E80, s15  }
0x16: {  	[hbm4b:s10+s3] =	stream.linear.scatter [tilespmem:s3], [sflag:$0x1], $0x6400, $0x38;
	[tilespmem:$0x6400] =	vst v63  }
0x17: {  	s11 =	sadd.s32 $0x4B00, s15  }
0x18: {  	[hbm4b:s11+s3] =	stream.linear.scatter [tilespmem:s3], [sflag:$0x1], $0x6400, $0x38;
	[tilespmem:$0x6400] =	vst v63  }
0x19: {  	s12 =	sadd.s32 $0x5780, s15  }
0x1a: {  	[hbm4b:s12+s3] =	stream.linear.scatter [tilespmem:s3], [sflag:$0x1], $0x6400, $0x38;
	[tilespmem:$0x6400] =	vst v63  }
0x1b: {  	s13 =	sadd.s32 $0x6400, s15  }
0x1c: {  	[hbm4b:s13+s3] =	stream.linear.scatter [tilespmem:s3], [sflag:$0x1], $0x6400, $0x38;
	[tilespmem:$0x6400] =	vst v63  }
0x1d: {  	s14 =	sadd.s32 $0x7080, s15  }
0x1e: {  	[hbm4b:s14+s3] =	stream.linear.scatter [tilespmem:s3], [sflag:$0x1], $0x6400, $0x38;
	[tilespmem:$0x6400] =	vst v63  }
0x1f: {  	s16 =	sadd.s32 $0x7D00, s15;
	s15 =	simm.s32 $0x1  }
0x20: {  	[hbm4b:s16+s3] =	stream.linear.scatter [tilespmem:s3], [sflag:$0x1], $0x6400, $0x38;
	[tilespmem:$0x6400] =	vst v63  }
0x21: {  	_ =	swait.ge [sflag:s15], $0x6400  }
0x22: {  	[sflag:s15] =	ssyncset.done $0x0  }
0x23: {  	[sflag:s15] =	ssyncadd.s32 $0xFFFF9C00  }
0x24: {  	_ =	swait.ge [sflag:s15], $0x6400  }
0x25: {  	[sflag:s15] =	ssyncset.done $0x0  }
0x26: {  	[sflag:s15] =	ssyncadd.s32 $0xFFFF9C00  }
0x27: {  	_ =	swait.ge [sflag:s15], $0x6400  }
0x28: {  	[sflag:s15] =	ssyncset.done $0x0  }
0x29: {  	[sflag:s15] =	ssyncadd.s32 $0xFFFF9C00  }
0x2a: {  	_ =	swait.ge [sflag:s15], $0x6400  }
0x2b: {  	[sflag:s15] =	ssyncset.done $0x0  }
0x2c: {  	[sflag:s15] =	ssyncadd.s32 $0xFFFF9C00  }
0x2d: {  	_ =	swait.ge [sflag:s15], $0x6400  }
0x2e: {  	[sflag:s15] =	ssyncset.done $0x0  }
0x2f: {  	[sflag:s15] =	ssyncadd.s32 $0xFFFF9C00  }
0x30: {  	_ =	swait.ge [sflag:s15], $0x6400  }
0x31: {  	[sflag:s15] =	ssyncset.done $0x0  }
0x32: {  	[sflag:s15] =	ssyncadd.s32 $0xFFFF9C00  }
0x33: {  	_ =	swait.ge [sflag:s15], $0x6400  }
0x34: {  	[sflag:s15] =	ssyncset.done $0x0  }
0x35: {  	[sflag:s15] =	ssyncadd.s32 $0xFFFF9C00  }
0x36: {  	_ =	swait.ge [sflag:s15], $0x6400  }
0x37: {  	s17 =	ssub.s32 $0x2, s17;
	[sflag:s15] =	ssyncset.done $0x0  }
0x38: {  	s18 =	sshrl.u32 s17, $0x1;
	[sflag:s15] =	ssyncadd.s32 $0xFFFF9C00  }
0x39: {  	s17 =	ssub.s32 s17, s18;
	_ =	swait.ge [sflag:s15], $0x6400  }
0x3a: {  	s17 =	smax.u32 s17, $0x1;
	[sflag:s15] =	ssyncset.done $0x0  }
0x3b: {  	p0 =	sne.s32 s17, $0x1;
	[sflag:s15] =	ssyncadd.s32 $0xFFFF9C00  }
.Ltmp0:
0x3c: {  	_ =	swait.ge [sflag:s15], $0x6400;
	(pc) =	sbr.rel @!p0 .LBB2_2-.Ltmp0, $4  }
0x3d: {  	[sflag:s15] =	ssyncset.done $0x0  }
0x3e: {  	[sflag:s15] =	ssyncadd.s32 $0xFFFF9C00  }
0x3f: {  	_ =	swait.ge [sflag:s15], $0x6400  }
0x40: {  	s17 =	sadd.s32 $0xFFFFFFFF, s17;
	[sflag:s15] =	ssyncset.done $0x0  }
.LBB2_1:
0x41: {  	p0 =	sne.s32 s17, $0x1;
	s17 =	sadd.s32 $0xFFFFFFFF, s17;
	[sflag:s15] =	ssyncadd.s32 $0xFFFF9C00  }
0x42: {  	[tilespmem:s3], [sflag:$0x2] =	stream.linear.gather [hbm4b:s2+s3], $0x6400, $0x38;
	[tilespmem:$0x6400] =	vst v63  }
0x43: {  	_ =	swait.ge [sflag:s4], $0x6400  }
0x44: {  	[sflag:s4] =	ssyncset.done $0x0  }
0x45: {  	[sflag:s4] =	ssyncadd.s32 $0xFFFF9C00  }
0x46: {  	[hbm4b:s5+s3] =	stream.linear.scatter [tilespmem:s3], [sflag:$0x1], $0x6400, $0x38;
	[tilespmem:$0x6400] =	vst v63  }
0x47: {  	_ = 	snop  }
0x48: {  	[hbm4b:s6+s3] =	stream.linear.scatter [tilespmem:s3], [sflag:$0x1], $0x6400, $0x38;
	[tilespmem:$0x6400] =	vst v63  }
0x49: {  	_ = 	snop  }
0x4a: {  	[hbm4b:s7+s3] =	stream.linear.scatter [tilespmem:s3], [sflag:$0x1], $0x6400, $0x38;
	[tilespmem:$0x6400] =	vst v63  }
0x4b: {  	_ = 	snop  }
0x4c: {  	[hbm4b:s8+s3] =	stream.linear.scatter [tilespmem:s3], [sflag:$0x1], $0x6400, $0x38;
	[tilespmem:$0x6400] =	vst v63  }
0x4d: {  	_ = 	snop  }
0x4e: {  	[hbm4b:s9+s3] =	stream.linear.scatter [tilespmem:s3], [sflag:$0x1], $0x6400, $0x38;
	[tilespmem:$0x6400] =	vst v63  }
0x4f: {  	_ = 	snop  }
0x50: {  	[hbm4b:s10+s3] =	stream.linear.scatter [tilespmem:s3], [sflag:$0x1], $0x6400, $0x38;
	[tilespmem:$0x6400] =	vst v63  }
0x51: {  	_ = 	snop  }
0x52: {  	[hbm4b:s11+s3] =	stream.linear.scatter [tilespmem:s3], [sflag:$0x1], $0x6400, $0x38;
	[tilespmem:$0x6400] =	vst v63  }
0x53: {  	_ = 	snop  }
0x54: {  	[hbm4b:s12+s3] =	stream.linear.scatter [tilespmem:s3], [sflag:$0x1], $0x6400, $0x38;
	[tilespmem:$0x6400] =	vst v63  }
0x55: {  	_ = 	snop  }
0x56: {  	[hbm4b:s13+s3] =	stream.linear.scatter [tilespmem:s3], [sflag:$0x1], $0x6400, $0x38;
	[tilespmem:$0x6400] =	vst v63  }
0x57: {  	_ = 	snop  }
0x58: {  	[hbm4b:s14+s3] =	stream.linear.scatter [tilespmem:s3], [sflag:$0x1], $0x6400, $0x38;
	[tilespmem:$0x6400] =	vst v63  }
0x59: {  	_ = 	snop  }
0x5a: {  	[hbm4b:s16+s3] =	stream.linear.scatter [tilespmem:s3], [sflag:$0x1], $0x6400, $0x38;
	[tilespmem:$0x6400] =	vst v63  }
0x5b: {  	_ =	swait.ge [sflag:s15], $0x6400  }
0x5c: {  	[sflag:s15] =	ssyncset.done $0x0  }
0x5d: {  	[sflag:s15] =	ssyncadd.s32 $0xFFFF9C00  }
0x5e: {  	_ =	swait.ge [sflag:s15], $0x6400  }
0x5f: {  	[sflag:s15] =	ssyncset.done $0x0  }
0x60: {  	[sflag:s15] =	ssyncadd.s32 $0xFFFF9C00  }
0x61: {  	_ =	swait.ge [sflag:s15], $0x6400  }
0x62: {  	[sflag:s15] =	ssyncset.done $0x0  }
0x63: {  	[sflag:s15] =	ssyncadd.s32 $0xFFFF9C00  }
0x64: {  	_ =	swait.ge [sflag:s15], $0x6400  }
0x65: {  	[sflag:s15] =	ssyncset.done $0x0  }
0x66: {  	[sflag:s15] =	ssyncadd.s32 $0xFFFF9C00  }
0x67: {  	_ =	swait.ge [sflag:s15], $0x6400  }
0x68: {  	[sflag:s15] =	ssyncset.done $0x0  }
0x69: {  	[sflag:s15] =	ssyncadd.s32 $0xFFFF9C00  }
0x6a: {  	_ =	swait.ge [sflag:s15], $0x6400  }
0x6b: {  	[sflag:s15] =	ssyncset.done $0x0  }
0x6c: {  	[sflag:s15] =	ssyncadd.s32 $0xFFFF9C00  }
0x6d: {  	_ =	swait.ge [sflag:s15], $0x6400  }
0x6e: {  	[sflag:s15] =	ssyncset.done $0x0  }
0x6f: {  	[sflag:s15] =	ssyncadd.s32 $0xFFFF9C00  }
0x70: {  	_ =	swait.ge [sflag:s15], $0x6400  }
0x71: {  	[sflag:s15] =	ssyncset.done $0x0  }
0x72: {  	[sflag:s15] =	ssyncadd.s32 $0xFFFF9C00  }
0x73: {  	_ =	swait.ge [sflag:s15], $0x6400  }
0x74: {  	[sflag:s15] =	ssyncset.done $0x0  }
0x75: {  	[sflag:s15] =	ssyncadd.s32 $0xFFFF9C00  }
.Ltmp1:
0x76: {  	_ =	swait.ge [sflag:s15], $0x6400;
	(pc) =	sbr.rel @p0 .LBB2_1-.Ltmp1, $4  }
0x77: {  	[sflag:s15] =	ssyncset.done $0x0  }
0x78: {  	[sflag:s15] =	ssyncadd.s32 $0xFFFF9C00  }
0x79: {  	_ =	swait.ge [sflag:s15], $0x6400  }
0x7a: {  	[sflag:s15] =	ssyncset.done $0x0  }
.LBB2_2:
0x7b: {  	[sflag:s15] =	ssyncadd.s32 $0xFFFF9C00  }
0x7c: {  	_ =	sfence.sel $0x180000  }
0x7d: {  	[bflag:$0x0] =	sbarrier.arrive $0xFFFF  }
0x7e: {  	p0 =	sne.s32 s1, $0x0;
	_ =	strace $0x90000047  }
0x7f: {  	s0 =	sadd.s32 @!p0 $0x100000, s0;
	[bflag:$0x2] =	sbarrier.arrive $0xFFFF  }
0x80: {  	[sflag:s0] =	ssyncadd.tile.s32 @!p0 $0x1;
	_ =	shalt  }
.Lfunc_end2:
_tile_overlayer_lowered:
.L_overlay_start_2:
0x81: {  	(tag) =	ssettag $0x2  }
0x82: {  	s0 =	rddreg [dreg:$0x0];
	s2 =	stileid.u32  }
0x83: {  	s1 =	rddreg [dreg:$0x1];
	p0 =	sne.s32 s2, $0x0  }
0x84: {  	s3 =	rddreg [dreg:$0x2];
	[bflag:$0x3] =	sbarrier.arrive $0xFFFF;
	s2 =	simm.s32 @!p0 $0x1C02  }
0x85: {  	[timem:s3], [sflag:s2] =	dma.local @!p0 [hbm:s0], s1  }
0x86: {  	s0 =	simm.s32 @!p0 $0x2  }
0x87: {  	_ =	swait.ge @!p0 [sflag:s0], s1  }
0x88: {  	s1 =	ssub.s32 @!p0 $0x0, s1;
	[sflag:s0] =	ssyncset.done @!p0 $0x0  }
0x89: {  	[sflag:s0] =	ssyncadd.s32 @!p0 s1  }
0x8a: {  	[bflag:$0x3] =	sbarrier.arrive $0xFFFF  }
0x8b: {  	_ =	shalt  }

</sc_bundles>
